<compile_context>
chip_gen: v7x
topology: tpu7x:2x2x1
jax: 0.10.2.dev20260603
libtpu: 0.0.44.dev20260713+nightly
codegen_flags: <defaults>
</compile_context>

<pallas_src>
import functools

import jax
import jax.numpy as jnp
from jax.experimental import pallas as pl
from jax.experimental.pallas import tpu as pltpu
from jax.experimental.pallas import tpu_sc as plsc

_B = 4
_S = 4
_D = 2048

_mesh = plsc.ScalarSubcoreMesh(axis_name="c", num_cores=1)


@functools.partial(
    pl.kernel,
    mesh=_mesh,
    out_type=jax.ShapeDtypeStruct((_B, _S, _D), jnp.float32),
    scratch_types=[
        pltpu.VMEM_SHARED((_B, _S, _D), jnp.float32),
        pltpu.SemaphoreType.DMA,
        pltpu.SemaphoreType.DMA,
    ],
)
def _gather_head(x_hbm, out_hbm, stage, in_sem, out_sem):
    ins = [
        pltpu.make_async_copy(
            x_hbm.at[b, pl.ds(0, _S), 0], stage.at[b], in_sem
        )
        for b in range(_B)
    ]
    outs = [
        pltpu.make_async_copy(stage.at[b], out_hbm.at[b], out_sem)
        for b in range(_B)
    ]
    for c in ins:
        c.start()
    for b in range(_B):
        ins[b].wait()
        outs[b].start()
    for c in outs:
        c.wait()


def kernel(x):
    return _gather_head(x)

# --- scband reference (transcript-rebuilt; emitter-appended) ---
"""Pipeline reference for scband-post-attention-10462540333368 (READ-ONLY COPY).

The authoritative reference and input builder live on the scoring server;
editing this copy changes nothing except your own understanding.
"""

import jax, jax.numpy as jnp
import numpy as np

def setup_inputs(seed: int = 0) -> dict:
    key = jax.random.key(seed)
    x = jax.random.normal(key, (4, 8192, 1, 2048), dtype=jnp.float32)
    return {"x": x}

def reference(x):
    # x: [B, seq_len, 1, d_model]
    x = jnp.squeeze(x, axis=2)  # [B, seq_len, d_model]
    selector = jnp.array([0, 1, 2, 3], dtype=jnp.int32)
    out = jnp.take(x, selector, axis=1)  # [B, 4, d_model]
    return out

if __name__ == "__main__":
    import jax
    _d = setup_inputs()
    print(jax.jit(kernel)(*tuple(_d.values())))

</pallas_src>

<mosaic_0001>
#map = affine_map<(d0) -> (0, 0, 0, 0)>
#map1 = affine_map<(d0) -> (0, 0, 0)>
module attributes {stable_mosaic.version = 14 : i64} {
  func.func @_gather_head(%arg0: i32, %arg1: memref<4x8192x1x2048xf32, #tpu.memory_space<hbm>>, %arg2: memref<4x4x2048xf32, #tpu.memory_space<hbm>>, %arg3: memref<4x4x2048xf32, #tpu.memory_space<vmem_shared>>, %arg4: memref<!tpu.dma_semaphore, #tpu.memory_space<semaphore_mem>>, %arg5: memref<!tpu.dma_semaphore, #tpu.memory_space<semaphore_mem>>) attributes {dimension_semantics = [#tpu.dimension_semantics<core_parallel>], iteration_bounds = array<i64: 1>, scalar_prefetch = 0 : i64, scratch_operands = 3 : i64, tpu.core_type = #tpu.core_type<sc_scalar_subcore>, window_params = [{transform_indices = #map}, {transform_indices = #map1}]} {
    %dma_start3A = arith.constant 0 : i32
    %dma_start3A_0 = arith.constant 0 : i32
    %dma_start3A_1 = arith.constant 0 : i32
    %dma_start3A_2 = arith.constant 0 : i32
    %dma_start3A_3 = arith.constant 0 : i32
    %dma_start3A_4 = tpu.memref_slice %arg3[%dma_start3A_1, %dma_start3A_2, %dma_start3A_3] : memref<4x4x2048xf32, #tpu.memory_space<vmem_shared>> -> memref<1x4x2048xf32, #tpu.memory_space<vmem_shared>>
    %dma_start3A_5 = tpu.memref_squeeze %dma_start3A_4 : memref<1x4x2048xf32, #tpu.memory_space<vmem_shared>> -> memref<4x2048xf32, #tpu.memory_space<vmem_shared>>
    %dma_start3A_6 = arith.constant 0 : i32
    %dma_start3A_7 = arith.constant 0 : i32
    %dma_start3A_8 = tpu.memref_slice %arg1[%dma_start3A, %dma_start3A_6, %dma_start3A_0, %dma_start3A_7] : memref<4x8192x1x2048xf32, #tpu.memory_space<hbm>> -> memref<1x4x1x2048xf32, #tpu.memory_space<hbm>>
    %dma_start3A_9 = tpu.memref_squeeze %dma_start3A_8 : memref<1x4x1x2048xf32, #tpu.memory_space<hbm>> -> memref<4x2048xf32, #tpu.memory_space<hbm>>
    tpu.enqueue_dma source(%dma_start3A_9 : memref<4x2048xf32, #tpu.memory_space<hbm>>) target(%dma_start3A_5 : memref<4x2048xf32, #tpu.memory_space<vmem_shared>>) target_semaphore(%arg4 : memref<!tpu.dma_semaphore, #tpu.memory_space<semaphore_mem>>)
    %dma_start3A_10 = arith.constant 1 : i32
    %dma_start3A_11 = arith.constant 0 : i32
    %dma_start3A_12 = arith.constant 1 : i32
    %dma_start3A_13 = arith.constant 0 : i32
    %dma_start3A_14 = arith.constant 0 : i32
    %dma_start3A_15 = tpu.memref_slice %arg3[%dma_start3A_12, %dma_start3A_13, %dma_start3A_14] : memref<4x4x2048xf32, #tpu.memory_space<vmem_shared>> -> memref<1x4x2048xf32, #tpu.memory_space<vmem_shared>>
    %dma_start3A_16 = tpu.memref_squeeze %dma_start3A_15 : memref<1x4x2048xf32, #tpu.memory_space<vmem_shared>> -> memref<4x2048xf32, #tpu.memory_space<vmem_shared>>
    %dma_start3A_17 = arith.constant 0 : i32
    %dma_start3A_18 = arith.constant 0 : i32
    %dma_start3A_19 = tpu.memref_slice %arg1[%dma_start3A_10, %dma_start3A_17, %dma_start3A_11, %dma_start3A_18] : memref<4x8192x1x2048xf32, #tpu.memory_space<hbm>> -> memref<1x4x1x2048xf32, #tpu.memory_space<hbm>>
    %dma_start3A_20 = tpu.memref_squeeze %dma_start3A_19 : memref<1x4x1x2048xf32, #tpu.memory_space<hbm>> -> memref<4x2048xf32, #tpu.memory_space<hbm>>
    tpu.enqueue_dma source(%dma_start3A_20 : memref<4x2048xf32, #tpu.memory_space<hbm>>) target(%dma_start3A_16 : memref<4x2048xf32, #tpu.memory_space<vmem_shared>>) target_semaphore(%arg4 : memref<!tpu.dma_semaphore, #tpu.memory_space<semaphore_mem>>)
    %dma_start3A_21 = arith.constant 2 : i32
    %dma_start3A_22 = arith.constant 0 : i32
    %dma_start3A_23 = arith.constant 2 : i32
    %dma_start3A_24 = arith.constant 0 : i32
    %dma_start3A_25 = arith.constant 0 : i32
    %dma_start3A_26 = tpu.memref_slice %arg3[%dma_start3A_23, %dma_start3A_24, %dma_start3A_25] : memref<4x4x2048xf32, #tpu.memory_space<vmem_shared>> -> memref<1x4x2048xf32, #tpu.memory_space<vmem_shared>>
    %dma_start3A_27 = tpu.memref_squeeze %dma_start3A_26 : memref<1x4x2048xf32, #tpu.memory_space<vmem_shared>> -> memref<4x2048xf32, #tpu.memory_space<vmem_shared>>
    %dma_start3A_28 = arith.constant 0 : i32
    %dma_start3A_29 = arith.constant 0 : i32
    %dma_start3A_30 = tpu.memref_slice %arg1[%dma_start3A_21, %dma_start3A_28, %dma_start3A_22, %dma_start3A_29] : memref<4x8192x1x2048xf32, #tpu.memory_space<hbm>> -> memref<1x4x1x2048xf32, #tpu.memory_space<hbm>>
    %dma_start3A_31 = tpu.memref_squeeze %dma_start3A_30 : memref<1x4x1x2048xf32, #tpu.memory_space<hbm>> -> memref<4x2048xf32, #tpu.memory_space<hbm>>
    tpu.enqueue_dma source(%dma_start3A_31 : memref<4x2048xf32, #tpu.memory_space<hbm>>) target(%dma_start3A_27 : memref<4x2048xf32, #tpu.memory_space<vmem_shared>>) target_semaphore(%arg4 : memref<!tpu.dma_semaphore, #tpu.memory_space<semaphore_mem>>)
    %dma_start3A_32 = arith.constant 3 : i32
    %dma_start3A_33 = arith.constant 0 : i32
    %dma_start3A_34 = arith.constant 3 : i32
    %dma_start3A_35 = arith.constant 0 : i32
    %dma_start3A_36 = arith.constant 0 : i32
    %dma_start3A_37 = tpu.memref_slice %arg3[%dma_start3A_34, %dma_start3A_35, %dma_start3A_36] : memref<4x4x2048xf32, #tpu.memory_space<vmem_shared>> -> memref<1x4x2048xf32, #tpu.memory_space<vmem_shared>>
    %dma_start3A_38 = tpu.memref_squeeze %dma_start3A_37 : memref<1x4x2048xf32, #tpu.memory_space<vmem_shared>> -> memref<4x2048xf32, #tpu.memory_space<vmem_shared>>
    %dma_start3A_39 = arith.constant 0 : i32
    %dma_start3A_40 = arith.constant 0 : i32
    %dma_start3A_41 = tpu.memref_slice %arg1[%dma_start3A_32, %dma_start3A_39, %dma_start3A_33, %dma_start3A_40] : memref<4x8192x1x2048xf32, #tpu.memory_space<hbm>> -> memref<1x4x1x2048xf32, #tpu.memory_space<hbm>>
    %dma_start3A_42 = tpu.memref_squeeze %dma_start3A_41 : memref<1x4x1x2048xf32, #tpu.memory_space<hbm>> -> memref<4x2048xf32, #tpu.memory_space<hbm>>
    tpu.enqueue_dma source(%dma_start3A_42 : memref<4x2048xf32, #tpu.memory_space<hbm>>) target(%dma_start3A_38 : memref<4x2048xf32, #tpu.memory_space<vmem_shared>>) target_semaphore(%arg4 : memref<!tpu.dma_semaphore, #tpu.memory_space<semaphore_mem>>)
    %dma_wait3A = arith.constant 0 : i32
    %dma_wait3A_43 = arith.constant 0 : i32
    %dma_wait3A_44 = arith.constant 0 : i32
    %dma_wait3A_45 = arith.constant 0 : i32
    %dma_wait3A_46 = arith.constant 0 : i32
    %dma_wait3A_47 = tpu.memref_slice %arg3[%dma_wait3A_44, %dma_wait3A_45, %dma_wait3A_46] : memref<4x4x2048xf32, #tpu.memory_space<vmem_shared>> -> memref<1x4x2048xf32, #tpu.memory_space<vmem_shared>>
    %dma_wait3A_48 = tpu.memref_squeeze %dma_wait3A_47 : memref<1x4x2048xf32, #tpu.memory_space<vmem_shared>> -> memref<4x2048xf32, #tpu.memory_space<vmem_shared>>
    %dma_wait3A_49 = arith.constant 0 : i32
    %dma_wait3A_50 = arith.constant 0 : i32
    %dma_wait3A_51 = tpu.memref_slice %arg1[%dma_wait3A, %dma_wait3A_49, %dma_wait3A_43, %dma_wait3A_50] : memref<4x8192x1x2048xf32, #tpu.memory_space<hbm>> -> memref<1x4x1x2048xf32, #tpu.memory_space<hbm>>
    %dma_wait3A_52 = tpu.memref_squeeze %dma_wait3A_51 : memref<1x4x1x2048xf32, #tpu.memory_space<hbm>> -> memref<4x2048xf32, #tpu.memory_space<hbm>>
    tpu.wait_dma2 semaphore(%arg4 : memref<!tpu.dma_semaphore, #tpu.memory_space<semaphore_mem>>) src(%dma_wait3A_52 : memref<4x2048xf32, #tpu.memory_space<hbm>>) dst(%dma_wait3A_48 : memref<4x2048xf32, #tpu.memory_space<vmem_shared>>)
    %dma_start3A_53 = arith.constant 0 : i32
    %dma_start3A_54 = arith.constant 0 : i32
    %dma_start3A_55 = arith.constant 0 : i32
    %dma_start3A_56 = arith.constant 0 : i32
    %dma_start3A_57 = tpu.memref_slice %arg2[%dma_start3A_54, %dma_start3A_55, %dma_start3A_56] : memref<4x4x2048xf32, #tpu.memory_space<hbm>> -> memref<1x4x2048xf32, #tpu.memory_space<hbm>>
    %dma_start3A_58 = tpu.memref_squeeze %dma_start3A_57 : memref<1x4x2048xf32, #tpu.memory_space<hbm>> -> memref<4x2048xf32, #tpu.memory_space<hbm>>
    %dma_start3A_59 = arith.constant 0 : i32
    %dma_start3A_60 = arith.constant 0 : i32
    %dma_start3A_61 = tpu.memref_slice %arg3[%dma_start3A_53, %dma_start3A_59, %dma_start3A_60] : memref<4x4x2048xf32, #tpu.memory_space<vmem_shared>> -> memref<1x4x2048xf32, #tpu.memory_space<vmem_shared>>
    %dma_start3A_62 = tpu.memref_squeeze %dma_start3A_61 : memref<1x4x2048xf32, #tpu.memory_space<vmem_shared>> -> memref<4x2048xf32, #tpu.memory_space<vmem_shared>>
    tpu.enqueue_dma source(%dma_start3A_62 : memref<4x2048xf32, #tpu.memory_space<vmem_shared>>) target(%dma_start3A_58 : memref<4x2048xf32, #tpu.memory_space<hbm>>) target_semaphore(%arg5 : memref<!tpu.dma_semaphore, #tpu.memory_space<semaphore_mem>>)
    %dma_wait3A_63 = arith.constant 1 : i32
    %dma_wait3A_64 = arith.constant 0 : i32
    %dma_wait3A_65 = arith.constant 1 : i32
    %dma_wait3A_66 = arith.constant 0 : i32
    %dma_wait3A_67 = arith.constant 0 : i32
    %dma_wait3A_68 = tpu.memref_slice %arg3[%dma_wait3A_65, %dma_wait3A_66, %dma_wait3A_67] : memref<4x4x2048xf32, #tpu.memory_space<vmem_shared>> -> memref<1x4x2048xf32, #tpu.memory_space<vmem_shared>>
    %dma_wait3A_69 = tpu.memref_squeeze %dma_wait3A_68 : memref<1x4x2048xf32, #tpu.memory_space<vmem_shared>> -> memref<4x2048xf32, #tpu.memory_space<vmem_shared>>
    %dma_wait3A_70 = arith.constant 0 : i32
    %dma_wait3A_71 = arith.constant 0 : i32
    %dma_wait3A_72 = tpu.memref_slice %arg1[%dma_wait3A_63, %dma_wait3A_70, %dma_wait3A_64, %dma_wait3A_71] : memref<4x8192x1x2048xf32, #tpu.memory_space<hbm>> -> memref<1x4x1x2048xf32, #tpu.memory_space<hbm>>
    %dma_wait3A_73 = tpu.memref_squeeze %dma_wait3A_72 : memref<1x4x1x2048xf32, #tpu.memory_space<hbm>> -> memref<4x2048xf32, #tpu.memory_space<hbm>>
    tpu.wait_dma2 semaphore(%arg4 : memref<!tpu.dma_semaphore, #tpu.memory_space<semaphore_mem>>) src(%dma_wait3A_73 : memref<4x2048xf32, #tpu.memory_space<hbm>>) dst(%dma_wait3A_69 : memref<4x2048xf32, #tpu.memory_space<vmem_shared>>)
    %dma_start3A_74 = arith.constant 1 : i32
    %dma_start3A_75 = arith.constant 1 : i32
    %dma_start3A_76 = arith.constant 0 : i32
    %dma_start3A_77 = arith.constant 0 : i32
    %dma_start3A_78 = tpu.memref_slice %arg2[%dma_start3A_75, %dma_start3A_76, %dma_start3A_77] : memref<4x4x2048xf32, #tpu.memory_space<hbm>> -> memref<1x4x2048xf32, #tpu.memory_space<hbm>>
    %dma_start3A_79 = tpu.memref_squeeze %dma_start3A_78 : memref<1x4x2048xf32, #tpu.memory_space<hbm>> -> memref<4x2048xf32, #tpu.memory_space<hbm>>
    %dma_start3A_80 = arith.constant 0 : i32
    %dma_start3A_81 = arith.constant 0 : i32
    %dma_start3A_82 = tpu.memref_slice %arg3[%dma_start3A_74, %dma_start3A_80, %dma_start3A_81] : memref<4x4x2048xf32, #tpu.memory_space<vmem_shared>> -> memref<1x4x2048xf32, #tpu.memory_space<vmem_shared>>
    %dma_start3A_83 = tpu.memref_squeeze %dma_start3A_82 : memref<1x4x2048xf32, #tpu.memory_space<vmem_shared>> -> memref<4x2048xf32, #tpu.memory_space<vmem_shared>>
    tpu.enqueue_dma source(%dma_start3A_83 : memref<4x2048xf32, #tpu.memory_space<vmem_shared>>) target(%dma_start3A_79 : memref<4x2048xf32, #tpu.memory_space<hbm>>) target_semaphore(%arg5 : memref<!tpu.dma_semaphore, #tpu.memory_space<semaphore_mem>>)
    %dma_wait3A_84 = arith.constant 2 : i32
    %dma_wait3A_85 = arith.constant 0 : i32
    %dma_wait3A_86 = arith.constant 2 : i32
    %dma_wait3A_87 = arith.constant 0 : i32
    %dma_wait3A_88 = arith.constant 0 : i32
    %dma_wait3A_89 = tpu.memref_slice %arg3[%dma_wait3A_86, %dma_wait3A_87, %dma_wait3A_88] : memref<4x4x2048xf32, #tpu.memory_space<vmem_shared>> -> memref<1x4x2048xf32, #tpu.memory_space<vmem_shared>>
    %dma_wait3A_90 = tpu.memref_squeeze %dma_wait3A_89 : memref<1x4x2048xf32, #tpu.memory_space<vmem_shared>> -> memref<4x2048xf32, #tpu.memory_space<vmem_shared>>
    %dma_wait3A_91 = arith.constant 0 : i32
    %dma_wait3A_92 = arith.constant 0 : i32
    %dma_wait3A_93 = tpu.memref_slice %arg1[%dma_wait3A_84, %dma_wait3A_91, %dma_wait3A_85, %dma_wait3A_92] : memref<4x8192x1x2048xf32, #tpu.memory_space<hbm>> -> memref<1x4x1x2048xf32, #tpu.memory_space<hbm>>
    %dma_wait3A_94 = tpu.memref_squeeze %dma_wait3A_93 : memref<1x4x1x2048xf32, #tpu.memory_space<hbm>> -> memref<4x2048xf32, #tpu.memory_space<hbm>>
    tpu.wait_dma2 semaphore(%arg4 : memref<!tpu.dma_semaphore, #tpu.memory_space<semaphore_mem>>) src(%dma_wait3A_94 : memref<4x2048xf32, #tpu.memory_space<hbm>>) dst(%dma_wait3A_90 : memref<4x2048xf32, #tpu.memory_space<vmem_shared>>)
    %dma_start3A_95 = arith.constant 2 : i32
    %dma_start3A_96 = arith.constant 2 : i32
    %dma_start3A_97 = arith.constant 0 : i32
    %dma_start3A_98 = arith.constant 0 : i32
    %dma_start3A_99 = tpu.memref_slice %arg2[%dma_start3A_96, %dma_start3A_97, %dma_start3A_98] : memref<4x4x2048xf32, #tpu.memory_space<hbm>> -> memref<1x4x2048xf32, #tpu.memory_space<hbm>>
    %dma_start3A_100 = tpu.memref_squeeze %dma_start3A_99 : memref<1x4x2048xf32, #tpu.memory_space<hbm>> -> memref<4x2048xf32, #tpu.memory_space<hbm>>
    %dma_start3A_101 = arith.constant 0 : i32
    %dma_start3A_102 = arith.constant 0 : i32
    %dma_start3A_103 = tpu.memref_slice %arg3[%dma_start3A_95, %dma_start3A_101, %dma_start3A_102] : memref<4x4x2048xf32, #tpu.memory_space<vmem_shared>> -> memref<1x4x2048xf32, #tpu.memory_space<vmem_shared>>
    %dma_start3A_104 = tpu.memref_squeeze %dma_start3A_103 : memref<1x4x2048xf32, #tpu.memory_space<vmem_shared>> -> memref<4x2048xf32, #tpu.memory_space<vmem_shared>>
    tpu.enqueue_dma source(%dma_start3A_104 : memref<4x2048xf32, #tpu.memory_space<vmem_shared>>) target(%dma_start3A_100 : memref<4x2048xf32, #tpu.memory_space<hbm>>) target_semaphore(%arg5 : memref<!tpu.dma_semaphore, #tpu.memory_space<semaphore_mem>>)
    %dma_wait3A_105 = arith.constant 3 : i32
    %dma_wait3A_106 = arith.constant 0 : i32
    %dma_wait3A_107 = arith.constant 3 : i32
    %dma_wait3A_108 = arith.constant 0 : i32
    %dma_wait3A_109 = arith.constant 0 : i32
    %dma_wait3A_110 = tpu.memref_slice %arg3[%dma_wait3A_107, %dma_wait3A_108, %dma_wait3A_109] : memref<4x4x2048xf32, #tpu.memory_space<vmem_shared>> -> memref<1x4x2048xf32, #tpu.memory_space<vmem_shared>>
    %dma_wait3A_111 = tpu.memref_squeeze %dma_wait3A_110 : memref<1x4x2048xf32, #tpu.memory_space<vmem_shared>> -> memref<4x2048xf32, #tpu.memory_space<vmem_shared>>
    %dma_wait3A_112 = arith.constant 0 : i32
    %dma_wait3A_113 = arith.constant 0 : i32
    %dma_wait3A_114 = tpu.memref_slice %arg1[%dma_wait3A_105, %dma_wait3A_112, %dma_wait3A_106, %dma_wait3A_113] : memref<4x8192x1x2048xf32, #tpu.memory_space<hbm>> -> memref<1x4x1x2048xf32, #tpu.memory_space<hbm>>
    %dma_wait3A_115 = tpu.memref_squeeze %dma_wait3A_114 : memref<1x4x1x2048xf32, #tpu.memory_space<hbm>> -> memref<4x2048xf32, #tpu.memory_space<hbm>>
    tpu.wait_dma2 semaphore(%arg4 : memref<!tpu.dma_semaphore, #tpu.memory_space<semaphore_mem>>) src(%dma_wait3A_115 : memref<4x2048xf32, #tpu.memory_space<hbm>>) dst(%dma_wait3A_111 : memref<4x2048xf32, #tpu.memory_space<vmem_shared>>)
    %dma_start3A_116 = arith.constant 3 : i32
    %dma_start3A_117 = arith.constant 3 : i32
    %dma_start3A_118 = arith.constant 0 : i32
    %dma_start3A_119 = arith.constant 0 : i32
    %dma_start3A_120 = tpu.memref_slice %arg2[%dma_start3A_117, %dma_start3A_118, %dma_start3A_119] : memref<4x4x2048xf32, #tpu.memory_space<hbm>> -> memref<1x4x2048xf32, #tpu.memory_space<hbm>>
    %dma_start3A_121 = tpu.memref_squeeze %dma_start3A_120 : memref<1x4x2048xf32, #tpu.memory_space<hbm>> -> memref<4x2048xf32, #tpu.memory_space<hbm>>
    %dma_start3A_122 = arith.constant 0 : i32
    %dma_start3A_123 = arith.constant 0 : i32
    %dma_start3A_124 = tpu.memref_slice %arg3[%dma_start3A_116, %dma_start3A_122, %dma_start3A_123] : memref<4x4x2048xf32, #tpu.memory_space<vmem_shared>> -> memref<1x4x2048xf32, #tpu.memory_space<vmem_shared>>
    %dma_start3A_125 = tpu.memref_squeeze %dma_start3A_124 : memref<1x4x2048xf32, #tpu.memory_space<vmem_shared>> -> memref<4x2048xf32, #tpu.memory_space<vmem_shared>>
    tpu.enqueue_dma source(%dma_start3A_125 : memref<4x2048xf32, #tpu.memory_space<vmem_shared>>) target(%dma_start3A_121 : memref<4x2048xf32, #tpu.memory_space<hbm>>) target_semaphore(%arg5 : memref<!tpu.dma_semaphore, #tpu.memory_space<semaphore_mem>>)
    %dma_wait3A_126 = arith.constant 0 : i32
    %dma_wait3A_127 = arith.constant 0 : i32
    %dma_wait3A_128 = arith.constant 0 : i32
    %dma_wait3A_129 = arith.constant 0 : i32
    %dma_wait3A_130 = tpu.memref_slice %arg2[%dma_wait3A_127, %dma_wait3A_128, %dma_wait3A_129] : memref<4x4x2048xf32, #tpu.memory_space<hbm>> -> memref<1x4x2048xf32, #tpu.memory_space<hbm>>
    %dma_wait3A_131 = tpu.memref_squeeze %dma_wait3A_130 : memref<1x4x2048xf32, #tpu.memory_space<hbm>> -> memref<4x2048xf32, #tpu.memory_space<hbm>>
    %dma_wait3A_132 = arith.constant 0 : i32
    %dma_wait3A_133 = arith.constant 0 : i32
    %dma_wait3A_134 = tpu.memref_slice %arg3[%dma_wait3A_126, %dma_wait3A_132, %dma_wait3A_133] : memref<4x4x2048xf32, #tpu.memory_space<vmem_shared>> -> memref<1x4x2048xf32, #tpu.memory_space<vmem_shared>>
    %dma_wait3A_135 = tpu.memref_squeeze %dma_wait3A_134 : memref<1x4x2048xf32, #tpu.memory_space<vmem_shared>> -> memref<4x2048xf32, #tpu.memory_space<vmem_shared>>
    tpu.wait_dma2 semaphore(%arg5 : memref<!tpu.dma_semaphore, #tpu.memory_space<semaphore_mem>>) src(%dma_wait3A_135 : memref<4x2048xf32, #tpu.memory_space<vmem_shared>>) dst(%dma_wait3A_131 : memref<4x2048xf32, #tpu.memory_space<hbm>>)
    %dma_wait3A_136 = arith.constant 1 : i32
    %dma_wait3A_137 = arith.constant 1 : i32
    %dma_wait3A_138 = arith.constant 0 : i32
    %dma_wait3A_139 = arith.constant 0 : i32
    %dma_wait3A_140 = tpu.memref_slice %arg2[%dma_wait3A_137, %dma_wait3A_138, %dma_wait3A_139] : memref<4x4x2048xf32, #tpu.memory_space<hbm>> -> memref<1x4x2048xf32, #tpu.memory_space<hbm>>
    %dma_wait3A_141 = tpu.memref_squeeze %dma_wait3A_140 : memref<1x4x2048xf32, #tpu.memory_space<hbm>> -> memref<4x2048xf32, #tpu.memory_space<hbm>>
    %dma_wait3A_142 = arith.constant 0 : i32
    %dma_wait3A_143 = arith.constant 0 : i32
    %dma_wait3A_144 = tpu.memref_slice %arg3[%dma_wait3A_136, %dma_wait3A_142, %dma_wait3A_143] : memref<4x4x2048xf32, #tpu.memory_space<vmem_shared>> -> memref<1x4x2048xf32, #tpu.memory_space<vmem_shared>>
    %dma_wait3A_145 = tpu.memref_squeeze %dma_wait3A_144 : memref<1x4x2048xf32, #tpu.memory_space<vmem_shared>> -> memref<4x2048xf32, #tpu.memory_space<vmem_shared>>
    tpu.wait_dma2 semaphore(%arg5 : memref<!tpu.dma_semaphore, #tpu.memory_space<semaphore_mem>>) src(%dma_wait3A_145 : memref<4x2048xf32, #tpu.memory_space<vmem_shared>>) dst(%dma_wait3A_141 : memref<4x2048xf32, #tpu.memory_space<hbm>>)
    %dma_wait3A_146 = arith.constant 2 : i32
    %dma_wait3A_147 = arith.constant 2 : i32
    %dma_wait3A_148 = arith.constant 0 : i32
    %dma_wait3A_149 = arith.constant 0 : i32
    %dma_wait3A_150 = tpu.memref_slice %arg2[%dma_wait3A_147, %dma_wait3A_148, %dma_wait3A_149] : memref<4x4x2048xf32, #tpu.memory_space<hbm>> -> memref<1x4x2048xf32, #tpu.memory_space<hbm>>
    %dma_wait3A_151 = tpu.memref_squeeze %dma_wait3A_150 : memref<1x4x2048xf32, #tpu.memory_space<hbm>> -> memref<4x2048xf32, #tpu.memory_space<hbm>>
    %dma_wait3A_152 = arith.constant 0 : i32
    %dma_wait3A_153 = arith.constant 0 : i32
    %dma_wait3A_154 = tpu.memref_slice %arg3[%dma_wait3A_146, %dma_wait3A_152, %dma_wait3A_153] : memref<4x4x2048xf32, #tpu.memory_space<vmem_shared>> -> memref<1x4x2048xf32, #tpu.memory_space<vmem_shared>>
    %dma_wait3A_155 = tpu.memref_squeeze %dma_wait3A_154 : memref<1x4x2048xf32, #tpu.memory_space<vmem_shared>> -> memref<4x2048xf32, #tpu.memory_space<vmem_shared>>
    tpu.wait_dma2 semaphore(%arg5 : memref<!tpu.dma_semaphore, #tpu.memory_space<semaphore_mem>>) src(%dma_wait3A_155 : memref<4x2048xf32, #tpu.memory_space<vmem_shared>>) dst(%dma_wait3A_151 : memref<4x2048xf32, #tpu.memory_space<hbm>>)
    %dma_wait3A_156 = arith.constant 3 : i32
    %dma_wait3A_157 = arith.constant 3 : i32
    %dma_wait3A_158 = arith.constant 0 : i32
    %dma_wait3A_159 = arith.constant 0 : i32
    %dma_wait3A_160 = tpu.memref_slice %arg2[%dma_wait3A_157, %dma_wait3A_158, %dma_wait3A_159] : memref<4x4x2048xf32, #tpu.memory_space<hbm>> -> memref<1x4x2048xf32, #tpu.memory_space<hbm>>
    %dma_wait3A_161 = tpu.memref_squeeze %dma_wait3A_160 : memref<1x4x2048xf32, #tpu.memory_space<hbm>> -> memref<4x2048xf32, #tpu.memory_space<hbm>>
    %dma_wait3A_162 = arith.constant 0 : i32
    %dma_wait3A_163 = arith.constant 0 : i32
    %dma_wait3A_164 = tpu.memref_slice %arg3[%dma_wait3A_156, %dma_wait3A_162, %dma_wait3A_163] : memref<4x4x2048xf32, #tpu.memory_space<vmem_shared>> -> memref<1x4x2048xf32, #tpu.memory_space<vmem_shared>>
    %dma_wait3A_165 = tpu.memref_squeeze %dma_wait3A_164 : memref<1x4x2048xf32, #tpu.memory_space<vmem_shared>> -> memref<4x2048xf32, #tpu.memory_space<vmem_shared>>
    tpu.wait_dma2 semaphore(%arg5 : memref<!tpu.dma_semaphore, #tpu.memory_space<semaphore_mem>>) src(%dma_wait3A_165 : memref<4x2048xf32, #tpu.memory_space<vmem_shared>>) dst(%dma_wait3A_161 : memref<4x2048xf32, #tpu.memory_space<hbm>>)
    return
  }
}

</mosaic_0001>

<sc_bundles>
// kernel: kernel.3.cloned.1.call-start
scs
__scs_entry_jumppad:
0x0: {  	(pc) =	sbr.rel $0x88, $3  }
0x1: {  	(tag) =	ssettag $0x0;
	lr =	simm.s32 $0x1  }
0x2: {  	[smem:$0x3FA0] =	sst lr;
	_ =	strace $0xD0000000  }
0x3: {  	_ = 	snop  }
0x4: {  	_ = 	snop  }
0x5: {  	_ = 	snop  }
0x6: {  	_ = 	snop  }
0x7: {  	_ = 	snop  }
__scs_overlays_trampoline_lowered:
0x8: {  	[smem:$0x3FAF] =	sst s0  }
0x9: {  	[smem:$0x3FB0] =	sst s1  }
0xa: {  	[smem:$0x3FB1] =	sst s2  }
0xb: {  	[smem:$0x3FB2] =	sst s3  }
0xc: {  	[smem:$0x3FB3] =	sst s4  }
0xd: {  	[smem:$0x3FB4] =	sst s5  }
0xe: {  	[smem:$0x3FB5] =	sst s6  }
0xf: {  	[smem:$0x3FB6] =	sst s7  }
0x10: {  	[smem:$0x3FB7] =	sst s8  }
0x11: {  	[smem:$0x3FB8] =	sst s9;
	s0 =	simm.s32 @!p0 $0x0  }
0x12: {  	s1 =	sld [smem:$0x3F9E];
	s0 =	simm.s32 @p0 $0x1  }
0x13: {  	[smem:$0x3FB9] =	sst s0;
	s0 =	simm.s32 @!p1 $0x0  }
0x14: {  	s2 =	sld [smem:$0x3F9D];
	s0 =	simm.s32 @p1 $0x1  }
0x15: {  	[smem:$0x3FBA] =	sst s0;
	s0 =	simm.s32 @!p2 $0x0  }
0x16: {  	s3 =	sld [smem:$0x3FDB];
	s0 =	simm.s32 @p2 $0x1  }
0x17: {  	s4 =	simm.s32 $0x1BF5;
	[smem:$0x3FBC] =	sst s0  }
0x18: {  	s0 =	sld [smem:$0x3F9F];
	_ =	swait.ge [sflag:s4], $0x0  }
0x19: {  	s7 =	sld [smem:$0x3FA0]  }
0x1a: {  	s8 =	sadd.s32 $0xFFFFE003, lr  }
0x1b: {  	s9 =	sadd.s32 $0xFFFFFEF7, lr;
	s5 =	simm.s32 $0xFFFFFFFF;
	p2 =	slt.u32 s8, $0xFFFFF086  }
0x1c: {  	p1 =	slt.u32 s9, $0xF7A;
	s5 =	simm.s32 @!p2 $0x0  }
0x1d: {  	s5 =	simm.s32 @p1 $0x1;
	p0 =	seq.s32 s7, s2  }
0x1e: {  	s7 =	smul.u32 @!p0 $0xF7A, s2;
	p2 =	seq.s32 @!p0 s5, $0x0  }
0x1f: {  	s9 =	smul.u32 $0xF7A, s1;
	s8 =	simm.s32 @!p0 $0x1BF5;
	p2 =	por !p2, p0  }
0x20: {  	[sflag:s8] =	ssyncset.s32 @!p0 $0xFFFFF086;
	s6 =	sadd.s32 @!p0 s3, s7;
	s7 =	simm.s32 @!p0 $0x108  }
0x21: {  	s3 =	sadd.s32 s3, s9;
	s6 =	sadd.s32 @!p0 $0x88, s6;
	s7 =	simm.s32 @p2 $0x1082  }
0x22: {  	[simem:s7], [sflag:s8] =	dma.local @!p0 [hbm:s6], $0xF7A  }
0x23: {  	s9 =	sor.u32 $0xD0000000, s2;
	s6 =	simm.s32 $0x108;
	_ =	swait.ge @!p0 [sflag:s8], $0x0  }
0x24: {  	s3 =	sadd.s32 $0x88, s3;
	s6 =	simm.s32 @!p1 $0x1082;
	[sflag:s4] =	ssyncset.s32 $0xFFFFF086  }
0x25: {  	[simem:s6], [sflag:s4] =	dma.local [hbm:s3], $0xF7A  }
0x26: {  	[smem:$0x3FA0] =	sst s1;
	(tag) =	ssettag s2;
	_ =	strace s9  }
0x27: {  	s1 =	sld [smem:$0x3FB0]  }
0x28: {  	s2 =	sld [smem:$0x3FB1]  }
0x29: {  	s4 =	sld [smem:$0x3FB3]  }
0x2a: {  	p0 =	seq.s32 s5, $0x0;
	s5 =	sld [smem:$0x3FB4]  }
0x2b: {  	s6 =	sld [smem:$0x3FB5]  }
0x2c: {  	s7 =	sld [smem:$0x3FB6]  }
0x2d: {  	s3 =	simm.s32 $0x108;
	s8 =	sld [smem:$0x3FB7]  }
0x2e: {  	s3 =	simm.s32 @!p0 $0x1082;
	s9 =	sld [smem:$0x3FB8]  }
0x2f: {  	lr =	sadd.s32 s0, s3;
	s0 =	sld [smem:$0x3FAF]  }
0x30: {  	s3 =	sld [smem:$0x3FB2]  }
0x31: {  	[smem:$0x3FBB] =	sst s10  }
0x32: {  	s10 =	sld [smem:$0x3FB9];
	_ =	sdelay $0x3  }
0x33: {  	p0 =	seq.s32 s10, $0x1;
	s10 =	sld [smem:$0x3FBB];
	_ =	sdelay $0x3  }
0x34: {  	[smem:$0x3FBB] =	sst s10  }
0x35: {  	s10 =	sld [smem:$0x3FBA];
	_ =	sdelay $0x3  }
0x36: {  	p1 =	seq.s32 s10, $0x1;
	s10 =	sld [smem:$0x3FBB];
	_ =	sdelay $0x3  }
0x37: {  	[smem:$0x3FBB] =	sst s10  }
0x38: {  	s10 =	sld [smem:$0x3FBC]  }
0x39: {  	_ = 	snop;
	(pc) =	sbr.ind lr, $3  }
0x3a: {  	_ = 	snop  }
0x3b: {  	_ = 	snop  }
0x3c: {  	p2 =	seq.s32 s10, $0x1;
	s10 =	sld [smem:$0x3FBB]  }
0x3d: {  	_ =	shalt  }
0x3e: {  	_ =	shalt  }
0x3f: {  	_ =	shalt  }
0x40: {  	_ =	shalt  }
0x41: {  	_ =	shalt  }
0x42: {  	_ =	shalt  }
0x43: {  	_ =	shalt  }
0x44: {  	_ =	shalt  }
0x45: {  	_ =	shalt  }
0x46: {  	_ =	shalt  }
0x47: {  	_ =	shalt  }
0x48: {  	_ =	shalt  }
0x49: {  	_ =	shalt  }
0x4a: {  	_ =	shalt  }
0x4b: {  	_ =	shalt  }
0x4c: {  	_ =	shalt  }
0x4d: {  	_ =	shalt  }
0x4e: {  	_ =	shalt  }
0x4f: {  	_ =	shalt  }
0x50: {  	_ =	shalt  }
0x51: {  	_ =	shalt  }
0x52: {  	_ =	shalt  }
0x53: {  	_ =	shalt  }
0x54: {  	_ =	shalt  }
0x55: {  	_ =	shalt  }
0x56: {  	_ =	shalt  }
0x57: {  	_ =	shalt  }
0x58: {  	_ =	shalt  }
0x59: {  	_ =	shalt  }
0x5a: {  	_ =	shalt  }
0x5b: {  	_ =	shalt  }
0x5c: {  	_ =	shalt  }
0x5d: {  	_ =	shalt  }
0x5e: {  	_ =	shalt  }
0x5f: {  	_ =	shalt  }
0x60: {  	_ =	shalt  }
0x61: {  	_ =	shalt  }
0x62: {  	_ =	shalt  }
0x63: {  	_ =	shalt  }
0x64: {  	_ =	shalt  }
0x65: {  	_ =	shalt  }
0x66: {  	_ =	shalt  }
0x67: {  	_ =	shalt  }
0x68: {  	_ =	shalt  }
0x69: {  	_ =	shalt  }
0x6a: {  	_ =	shalt  }
0x6b: {  	_ =	shalt  }
0x6c: {  	_ =	shalt  }
0x6d: {  	_ =	shalt  }
0x6e: {  	_ =	shalt  }
0x6f: {  	_ =	shalt  }
0x70: {  	_ =	shalt  }
0x71: {  	_ =	shalt  }
0x72: {  	_ =	shalt  }
0x73: {  	_ =	shalt  }
0x74: {  	_ =	shalt  }
0x75: {  	_ =	shalt  }
0x76: {  	_ =	shalt  }
0x77: {  	_ =	shalt  }
0x78: {  	_ =	shalt  }
0x79: {  	_ =	shalt  }
0x7a: {  	_ =	shalt  }
0x7b: {  	_ =	shalt  }
0x7c: {  	_ =	shalt  }
0x7d: {  	_ =	shalt  }
0x7e: {  	_ =	shalt  }
0x7f: {  	_ =	shalt  }
0x80: {  	_ =	shalt  }
0x81: {  	_ =	shalt  }
0x82: {  	_ =	shalt  }
0x83: {  	_ =	shalt  }
0x84: {  	_ =	shalt  }
0x85: {  	_ =	shalt  }
0x86: {  	_ =	shalt  }
0x87: {  	_ =	shalt  }
.Lfunc_end0:
.L_simem_size_0:
called_computation_lowered:
.L_overlay_start_0:
0x88: {  	s0 =	sld [smem:$0x3FD9]  }
0x89: {  	s1 =	sld [smem:$0x3FFE];
	_ =	sdelay $0x3  }
0x8a: {  	s0 =	sadd.s32 s1, s0  }
0x8b: {  	s2 =	simm.s32 $0x0;
	[smem:$0x3FC7] =	sst s0  }
0x8c: {  	[smem:$0xF] =	sst s2  }
0x8d: {  	s18 =	sld [smem:$0x3FC9]  }
0x8e: {  	s0 =	sld [smem:$0x3FD0];
	(tm) =	ssettm $0x1  }
0x8f: {  	s3 =	sld [smem:$0x3FFB];
	_ =	sdelay $0x3  }
0x90: {  	_ =	strace s3  }
0x91: {  	s3 =	sld [smem:$0x3FFC];
	_ =	sdelay $0x3  }
0x92: {  	_ =	strace s3  }
0x93: {  	s3 =	sld [smem:$0x3FFD];
	_ =	sdelay $0x3  }
0x94: {  	_ =	strace s3  }
0x95: {  	s19 =	simm.s32 $0x1B8B;
	_ =	strace $0x8FFFFFFF  }
0x96: {  	_ =	swait.ge [sflag:s19], $0x1  }
0x97: {  	[sflag:s19] =	ssyncset.done $0x0  }
0x98: {  	s20 =	simm.s32 $0x1B8E;
	[sflag:s19] =	ssyncadd.s32 $0xFFFFFFFF  }
0x99: {  	[smem:$0x3FD2] =	sst s20  }
0x9a: {  	_ =	strace $0x80000046;
	[dreg:$0x0] =	wrdreg $0x10  }
0x9b: {  	s21 =	sld [smem:$0x0]  }
0x9c: {  	[dreg:$0x1] =	wrdreg $0x40  }
0x9d: {  	[dreg:$0x2] =	wrdreg $0x4  }
0x9e: {  	[dreg:$0x3] =	wrdreg $0x100  }
0x9f: {  	[dreg:$0x4] =	wrdreg $0x10  }
0xa0: {  	s4 =	simm.s32 $0x9;
	s3 =	sor.u32 $0x44000, s21;
	[dreg:$0x5] =	wrdreg $0x1  }
0xa1: {  	[spmem:s2], [sflag:s4] =	dma.general [hbm:s18], [sflag:s2], length:$0x400, [dreg:$0x0], stride_count:$0x2, ici_dest:s3, dma_misc:DstOpCode:WRITE  }
0xa2: {  	[dreg:$0x0] =	wrdreg $0x10  }
0xa3: {  	[dreg:$0x1] =	wrdreg $0x40  }
0xa4: {  	[dreg:$0x2] =	wrdreg $0x4  }
0xa5: {  	[dreg:$0x3] =	wrdreg $0x100  }
0xa6: {  	[dreg:$0x4] =	wrdreg $0x10  }
0xa7: {  	s6 =	simm.s32 $0x400;
	s5 =	sadd.s32 $0x200000, s18;
	[dreg:$0x5] =	wrdreg $0x1  }
0xa8: {  	[spmem:s6], [sflag:s4] =	dma.general [hbm:s5], [sflag:s2], length:$0x400, [dreg:$0x0], stride_count:$0x2, ici_dest:s3, dma_misc:DstOpCode:WRITE  }
0xa9: {  	[dreg:$0x0] =	wrdreg $0x10  }
0xaa: {  	[dreg:$0x1] =	wrdreg $0x40  }
0xab: {  	[dreg:$0x2] =	wrdreg $0x4  }
0xac: {  	[dreg:$0x3] =	wrdreg $0x100  }
0xad: {  	[dreg:$0x4] =	wrdreg $0x10  }
0xae: {  	s7 =	simm.s32 $0x800;
	s22 =	sadd.s32 $0x400000, s18;
	[dreg:$0x5] =	wrdreg $0x1  }
0xaf: {  	[spmem:s7], [sflag:s4] =	dma.general [hbm:s22], [sflag:s2], length:$0x400, [dreg:$0x0], stride_count:$0x2, ici_dest:s3, dma_misc:DstOpCode:WRITE  }
0xb0: {  	[dreg:$0x0] =	wrdreg $0x10  }
0xb1: {  	[dreg:$0x1] =	wrdreg $0x40  }
0xb2: {  	[dreg:$0x2] =	wrdreg $0x4  }
0xb3: {  	[dreg:$0x3] =	wrdreg $0x100  }
0xb4: {  	[dreg:$0x4] =	wrdreg $0x10  }
0xb5: {  	s23 =	simm.s32 $0xC00;
	s1 =	sadd.s32 $0x600000, s18;
	[dreg:$0x5] =	wrdreg $0x1  }
0xb6: {  	[spmem:s23], [sflag:s4] =	dma.general [hbm:s1], [sflag:s2], length:$0x400, [dreg:$0x0], stride_count:$0x2, ici_dest:s3, dma_misc:DstOpCode:WRITE  }
0xb7: {  	_ =	swait.ge [sflag:s4], $0x400  }
0xb8: {  	[sflag:s4] =	ssyncset.done $0x0  }
0xb9: {  	[sflag:s4] =	ssyncadd.s32 $0xFFFFFC00  }
0xba: {  	s24 =	simm.s32 $0xA  }
0xbb: {  	[hbm:s0], [sflag:s24] =	dma.local [spmem:s2], $0x400  }
0xbc: {  	_ =	swait.ge [sflag:s4], $0x400  }
0xbd: {  	[sflag:s4] =	ssyncset.done $0x0  }
0xbe: {  	[sflag:s4] =	ssyncadd.s32 $0xFFFFFC00  }
0xbf: {  	s25 =	sadd.s32 $0x400, s0  }
0xc0: {  	[hbm:s25], [sflag:s24] =	dma.local [spmem:s6], $0x400  }
0xc1: {  	_ =	swait.ge [sflag:s4], $0x400  }
0xc2: {  	[sflag:s4] =	ssyncset.done $0x0  }
0xc3: {  	[sflag:s4] =	ssyncadd.s32 $0xFFFFFC00  }
0xc4: {  	s26 =	sadd.s32 $0x800, s0  }
0xc5: {  	[hbm:s26], [sflag:s24] =	dma.local [spmem:s7], $0x400  }
0xc6: {  	_ =	swait.ge [sflag:s4], $0x400  }
0xc7: {  	[sflag:s4] =	ssyncset.done $0x0  }
0xc8: {  	[sflag:s4] =	ssyncadd.s32 $0xFFFFFC00  }
0xc9: {  	s0 =	sadd.s32 $0xC00, s0  }
0xca: {  	[hbm:s0], [sflag:s24] =	dma.local [spmem:s23], $0x400  }
0xcb: {  	_ =	swait.ge [sflag:s24], $0x400  }
0xcc: {  	[sflag:s24] =	ssyncset.done $0x0  }
0xcd: {  	[sflag:s24] =	ssyncadd.s32 $0xFFFFFC00;
	_ =	sdelay $0x2  }
0xce: {  	_ =	swait.ge [sflag:s24], $0x400  }
0xcf: {  	[sflag:s24] =	ssyncset.done $0x0  }
0xd0: {  	[sflag:s24] =	ssyncadd.s32 $0xFFFFFC00;
	_ =	sdelay $0x2  }
0xd1: {  	_ =	swait.ge [sflag:s24], $0x400  }
0xd2: {  	[sflag:s24] =	ssyncset.done $0x0  }
0xd3: {  	[sflag:s24] =	ssyncadd.s32 $0xFFFFFC00;
	_ =	sdelay $0x2  }
0xd4: {  	_ =	swait.ge [sflag:s24], $0x400  }
0xd5: {  	[sflag:s24] =	ssyncset.done $0x0  }
0xd6: {  	[sflag:s24] =	ssyncadd.s32 $0xFFFFFC00  }
0xd7: {  	_ =	strace $0x90000046  }
0xd8: {  	_ =	sfence  }
0xd9: {  	s28 =	sld [smem:$0x0];
	_ =	sdelay $0x1  }
0xda: {  	s29 =	srdreg.scid  }
0xdb: {  	s30 =	sshll.u32 s29, $0xD;
	s31 =	sshrl.u32 s29, $0x2  }
0xdc: {  	s1 =	sand.u32 $0x1, s29;
	s2 =	sand.u32 $0x4000, s30;
	s0 =	sadd.s32 s31, s28  }
0xdd: {  	s1 =	sor.u32 s2, s1;
	s0 =	sshll.u32 s0, $0x11  }
0xde: {  	s0 =	sor.u32 s0, s1  }
0xdf: {  	s0 =	sadd.s32 $0x8F2B, s0;
	(pc) =	sbr.abs _section_cstart, $3  }
0xe0: {  	[sflag:s0] =	ssyncadd.remote.s32 $0x1  }
0xe1: {  	_ =	strace $0x9FFFFFFF  }
0xe2: {  	(tm) =	ssettm $0x7FFFFFFF  }
0xe3: {  	_ =	shalt  }

</sc_bundles>
